<compile_context>
chip_gen: v7x
topology: tpu7x:2x2x1
jax: 0.10.2.dev20260603
libtpu: 0.0.44.dev20260713+nightly
codegen_flags: <defaults>
</compile_context>

<pallas_src>
import functools

import jax
import jax.numpy as jnp
from jax import lax
from jax.experimental import pallas as pl
from jax.experimental.pallas import tpu as pltpu
from jax.experimental.pallas import tpu_sc as plsc

_MBLK = 384


def _tc_knn_body(o_ref, h_ref, nnd_ref, nni_ref):
    ot = jnp.transpose(o_ref[0], (1, 0))
    h = h_ref[0]
    g2 = jnp.dot(ot, h, preferred_element_type=jnp.float32)
    h2 = h[3:4, :]
    ji = h[5:6, :]
    o2 = ot[:, 4:5]
    d2 = (o2 + h2) - g2
    mn = jnp.min(d2, axis=1, keepdims=True)
    idxf = jnp.min(jnp.where(d2 == mn, ji, jnp.float32(2**30)), axis=1,
                   keepdims=True)
    nnd_ref[0] = jnp.transpose(mn, (1, 0))
    nni_ref[0] = jnp.transpose(idxf.astype(jnp.int32), (1, 0))


def _sc_interior_body(No, hand_h, norm_h, obj_h, nnd_h, nni_h, out_h,
                      hand_v, norm_v, obj_v, nnd_v, nni_v, acc_v):
    w = lax.axis_index("s") * 2 + lax.axis_index("c")
    NhF = hand_v.shape[0]
    NoF = obj_v.shape[0]
    NoP = nnd_v.shape[0]
    pltpu.sync_copy(hand_h.at[pl.ds(w * NhF, NhF)], hand_v)
    pltpu.sync_copy(norm_h.at[pl.ds(w * NhF, NhF)], norm_v)
    pltpu.sync_copy(obj_h.at[pl.ds(w * NoF, NoF)], obj_v)
    pltpu.sync_copy(nnd_h.at[pl.ds(w * NoP, NoP)], nnd_v)
    pltpu.sync_copy(nni_h.at[pl.ds(w * NoP, NoP)], nni_v)
    lane = lax.iota(jnp.int32, 16)

    def body(i, acc):
        st = i * 16
        i3 = nni_v[pl.ds(st, 16)] * 3
        o3 = (st + lane) * 3
        gx = plsc.load_gather(hand_v, [i3])
        gy = plsc.load_gather(hand_v, [i3 + 1])
        gz = plsc.load_gather(hand_v, [i3 + 2])
        nx = plsc.load_gather(norm_v, [i3])
        ny = plsc.load_gather(norm_v, [i3 + 1])
        nz = plsc.load_gather(norm_v, [i3 + 2])
        ox = plsc.load_gather(obj_v, [o3])
        oy = plsc.load_gather(obj_v, [o3 + 1])
        oz = plsc.load_gather(obj_v, [o3 + 2])
        score = (gx - ox) * nx + (gy - oy) * ny + (gz - oz) * nz
        nnd = nnd_v[pl.ds(st, 16)]
        keep = jnp.logical_and(score > 0.0, (st + lane) < No)
        return acc + jnp.where(keep, nnd, 0.0)

    acc = lax.fori_loop(0, NoP // 16, body, jnp.zeros((16,), jnp.float32))
    acc_v[...] = acc
    pltpu.sync_copy(acc_v, out_h.at[pl.ds(w * 16, 16)])


def kernel(hand_xyz, hand_normal, obj_xyz):
    B, Nh, _ = hand_xyz.shape
    No = obj_xyz.shape[1]
    NhP = 896
    NoP = 3072
    NhF = 2336
    NoF = 9024
    nblk = NoP // _MBLK

    f32 = jnp.float32
    hand_t = jnp.transpose(hand_xyz, (0, 2, 1))
    hand_p = jnp.zeros((B, 8, NhP), f32)
    hand_p = hand_p.at[:, :3, :Nh].set(2.0 * hand_t)
    h2 = jnp.sum(hand_xyz ** 2, axis=-1)
    hand_p = hand_p.at[:, 3, :].set(
        jnp.pad(h2, ((0, 0), (0, NhP - Nh)), constant_values=1e30))
    hand_p = hand_p.at[:, 5, :].set(
        jnp.arange(NhP, dtype=f32)[None, :])
    obj_t = jnp.transpose(obj_xyz, (0, 2, 1))
    obj_p = jnp.zeros((B, 8, NoP), f32)
    obj_p = obj_p.at[:, :3, :No].set(obj_t)
    o2 = jnp.sum(obj_xyz ** 2, axis=-1)
    obj_p = obj_p.at[:, 4, :No].set(o2)

    nnd, nni = pl.pallas_call(
        _tc_knn_body,
        grid=(B, nblk),
        in_specs=[
            pl.BlockSpec((1, 8, _MBLK), lambda b, m: (b, 0, m)),
            pl.BlockSpec((1, 8, NhP), lambda b, m: (b, 0, 0)),
        ],
        out_specs=[
            pl.BlockSpec((1, 1, _MBLK), lambda b, m: (b * nblk + m, 0, 0)),
            pl.BlockSpec((1, 1, _MBLK), lambda b, m: (b * nblk + m, 0, 0)),
        ],
        out_shape=[
            jax.ShapeDtypeStruct((B * nblk, 1, _MBLK), f32),
            jax.ShapeDtypeStruct((B * nblk, 1, _MBLK), jnp.int32),
        ],
        compiler_params=pltpu.CompilerParams(
            dimension_semantics=("parallel", "parallel")),
    )(obj_p, hand_p)

    hand_f = jnp.pad(hand_xyz.reshape(B, Nh * 3), ((0, 0), (0, NhF - Nh * 3)))
    norm_f = jnp.pad(hand_normal.reshape(B, Nh * 3),
                     ((0, 0), (0, NhF - Nh * 3)))
    obj_f = jnp.pad(obj_xyz.reshape(B, No * 3), ((0, 0), (0, NoF - No * 3)))

    mesh = plsc.VectorSubcoreMesh(core_axis_name="c", subcore_axis_name="s")
    sc = functools.partial(
        pl.kernel,
        mesh=mesh,
        compiler_params=pltpu.CompilerParams(needs_layout_passes=False),
        out_type=jax.ShapeDtypeStruct((B * 16,), f32),
        scratch_types=[
            pltpu.VMEM((NhF,), f32),
            pltpu.VMEM((NhF,), f32),
            pltpu.VMEM((NoF,), f32),
            pltpu.VMEM((NoP,), f32),
            pltpu.VMEM((NoP,), jnp.int32),
            pltpu.VMEM((16,), f32),
        ],
    )(functools.partial(_sc_interior_body, No))
    partials = sc(hand_f.reshape(-1), norm_f.reshape(-1), obj_f.reshape(-1),
                  nnd.reshape(-1), nni.reshape(-1))

    return jnp.sum(partials) / B

# --- scband reference (transcript-rebuilt; emitter-appended) ---
"""Pipeline reference for scband-flow-grasp-927712936424 (READ-ONLY COPY).

The authoritative reference and input builder live on the scoring server;
editing this copy changes nothing except your own understanding.
"""

import jax, jax.numpy as jnp
import numpy as np


def setup_inputs(seed: int = 0) -> dict:
    key = jax.random.key(seed)
    k1, k2, k3 = jax.random.split(key, 3)
    B, Nh, No = 32, 778, 3000
    hand_xyz = jax.random.normal(k1, (B, Nh, 3), dtype=jnp.float32)
    hn = jax.random.normal(k2, (B, Nh, 3), dtype=jnp.float32)
    hand_normal = hn / (jnp.linalg.norm(hn, axis=-1, keepdims=True) + 1e-8)
    obj_xyz = jax.random.normal(k3, (B, No, 3), dtype=jnp.float32)
    return {"hand_xyz": hand_xyz, "hand_normal": hand_normal, "obj_xyz": obj_xyz}


def _knn_1(src_xyz, trg_xyz):
    # squared pairwise distances [B, Ns, Nt], mirrors pytorch3d knn_points (squared dists)
    d2 = (
        jnp.sum(src_xyz ** 2, axis=-1)[:, :, None]
        + jnp.sum(trg_xyz ** 2, axis=-1)[:, None, :]
        - 2.0 * jnp.einsum("bnd,bmd->bnm", src_xyz, trg_xyz)
    )
    nn_dists = jnp.min(d2, axis=-1)
    nn_idx = jnp.argmin(d2, axis=-1)
    return nn_dists, nn_idx


def _batched_index_select(inp, idx):
    # inp: [B, N1, C], idx: [B, N2] -> [B, N2, C]  (torch.gather along dim=1)
    B, N2 = idx.shape
    C = inp.shape[-1]
    idx_e = jnp.broadcast_to(idx[:, :, None], (B, N2, C))
    return jnp.take_along_axis(inp, idx_e, axis=1)


def reference(hand_xyz, hand_normal, obj_xyz):
    # get_NN: NN of each obj point in the hand vertices
    nn_dists, nn_idx = _knn_1(obj_xyz, hand_xyz)
    # get_interior: dot(NN_vector, NN_normal) > 0 means obj point penetrates hand surface
    NN_src_xyz = _batched_index_select(hand_xyz, nn_idx)
    NN_vector = NN_src_xyz - obj_xyz
    NN_src_normal = _batched_index_select(hand_normal, nn_idx)
    interior = jnp.sum(NN_vector * NN_src_normal, axis=-1) > 0
    # inter_penetr_loss: sum of squared NN distances over penetrating points / B
    B = hand_xyz.shape[0]
    penetr_dist = jnp.sum(jnp.where(interior, nn_dists, 0.0)) / B
    return penetr_dist

if __name__ == "__main__":
    import jax
    _d = setup_inputs()
    print(jax.jit(kernel)(*tuple(_d.values())))

</pallas_src>

<mosaic_0001>
#map = affine_map<(d0, d1) -> (0)>
module attributes {stable_mosaic.version = 14 : i64} {
  func.func @_sc_interior_body(%arg0: i32, %arg1: i32, %arg2: memref<74752xf32, #tpu.memory_space<hbm>>, %arg3: memref<74752xf32, #tpu.memory_space<hbm>>, %arg4: memref<288768xf32, #tpu.memory_space<hbm>>, %arg5: memref<98304xf32, #tpu.memory_space<hbm>>, %arg6: memref<98304xi32, #tpu.memory_space<hbm>>, %arg7: memref<512xf32, #tpu.memory_space<hbm>>, %arg8: memref<2336xf32, #tpu.memory_space<vmem>>, %arg9: memref<2336xf32, #tpu.memory_space<vmem>>, %arg10: memref<9024xf32, #tpu.memory_space<vmem>>, %arg11: memref<3072xf32, #tpu.memory_space<vmem>>, %arg12: memref<3072xi32, #tpu.memory_space<vmem>>, %arg13: memref<16xf32, #tpu.memory_space<vmem>>) attributes {dimension_semantics = [#tpu.dimension_semantics<core_parallel>, #tpu.dimension_semantics<subcore_parallel>], iteration_bounds = array<i64: 2, 16>, scalar_prefetch = 0 : i64, scratch_operands = 6 : i64, tpu.core_type = #tpu.core_type<sc_vector_subcore>, window_params = [{transform_indices = #map}, {transform_indices = #map}, {transform_indices = #map}, {transform_indices = #map}, {transform_indices = #map}, {transform_indices = #map}]} {
    %mul3A = arith.constant 2 : i32
    %mul3A_0 = arith.muli %arg1, %mul3A : i32
    %add3A = arith.addi %mul3A_0, %arg0 : i32
    %mul3A_1 = arith.constant 2336 : i32
    %mul3A_2 = arith.muli %add3A, %mul3A_1 : i32
    "tpu.region"() ({
      %run_scoped3A = tpu.sem_alloc : memref<!tpu.dma_semaphore, #tpu.memory_space<semaphore_mem>>
      %dma_start3A = tpu.memref_slice %arg2[%mul3A_2] : memref<74752xf32, #tpu.memory_space<hbm>> -> memref<2336xf32, #tpu.memory_space<hbm>>
      %dma_start3A_20 = tpu.memref_slice %arg2[%mul3A_2] : memref<74752xf32, #tpu.memory_space<hbm>> -> memref<2336xf32, #tpu.memory_space<hbm>>
      tpu.enqueue_dma source(%dma_start3A_20 : memref<2336xf32, #tpu.memory_space<hbm>>) target(%arg8 : memref<2336xf32, #tpu.memory_space<vmem>>) target_semaphore(%run_scoped3A : memref<!tpu.dma_semaphore, #tpu.memory_space<semaphore_mem>>)
      %dma_wait3A = tpu.memref_slice %arg2[%mul3A_2] : memref<74752xf32, #tpu.memory_space<hbm>> -> memref<2336xf32, #tpu.memory_space<hbm>>
      %dma_wait3A_21 = tpu.memref_slice %arg2[%mul3A_2] : memref<74752xf32, #tpu.memory_space<hbm>> -> memref<2336xf32, #tpu.memory_space<hbm>>
      tpu.wait_dma2 semaphore(%run_scoped3A : memref<!tpu.dma_semaphore, #tpu.memory_space<semaphore_mem>>) src(%dma_wait3A_21 : memref<2336xf32, #tpu.memory_space<hbm>>) dst(%arg8 : memref<2336xf32, #tpu.memory_space<vmem>>)
      tpu.yield
    }) : () -> ()
    %mul3A_3 = arith.constant 2336 : i32
    %mul3A_4 = arith.muli %add3A, %mul3A_3 : i32
    "tpu.region"() ({
      %run_scoped3A = tpu.sem_alloc : memref<!tpu.dma_semaphore, #tpu.memory_space<semaphore_mem>>
      %dma_start3A = tpu.memref_slice %arg3[%mul3A_4] : memref<74752xf32, #tpu.memory_space<hbm>> -> memref<2336xf32, #tpu.memory_space<hbm>>
      %dma_start3A_20 = tpu.memref_slice %arg3[%mul3A_4] : memref<74752xf32, #tpu.memory_space<hbm>> -> memref<2336xf32, #tpu.memory_space<hbm>>
      tpu.enqueue_dma source(%dma_start3A_20 : memref<2336xf32, #tpu.memory_space<hbm>>) target(%arg9 : memref<2336xf32, #tpu.memory_space<vmem>>) target_semaphore(%run_scoped3A : memref<!tpu.dma_semaphore, #tpu.memory_space<semaphore_mem>>)
      %dma_wait3A = tpu.memref_slice %arg3[%mul3A_4] : memref<74752xf32, #tpu.memory_space<hbm>> -> memref<2336xf32, #tpu.memory_space<hbm>>
      %dma_wait3A_21 = tpu.memref_slice %arg3[%mul3A_4] : memref<74752xf32, #tpu.memory_space<hbm>> -> memref<2336xf32, #tpu.memory_space<hbm>>
      tpu.wait_dma2 semaphore(%run_scoped3A : memref<!tpu.dma_semaphore, #tpu.memory_space<semaphore_mem>>) src(%dma_wait3A_21 : memref<2336xf32, #tpu.memory_space<hbm>>) dst(%arg9 : memref<2336xf32, #tpu.memory_space<vmem>>)
      tpu.yield
    }) : () -> ()
    %mul3A_5 = arith.constant 9024 : i32
    %mul3A_6 = arith.muli %add3A, %mul3A_5 : i32
    "tpu.region"() ({
      %run_scoped3A = tpu.sem_alloc : memref<!tpu.dma_semaphore, #tpu.memory_space<semaphore_mem>>
      %dma_start3A = tpu.memref_slice %arg4[%mul3A_6] : memref<288768xf32, #tpu.memory_space<hbm>> -> memref<9024xf32, #tpu.memory_space<hbm>>
      %dma_start3A_20 = tpu.memref_slice %arg4[%mul3A_6] : memref<288768xf32, #tpu.memory_space<hbm>> -> memref<9024xf32, #tpu.memory_space<hbm>>
      tpu.enqueue_dma source(%dma_start3A_20 : memref<9024xf32, #tpu.memory_space<hbm>>) target(%arg10 : memref<9024xf32, #tpu.memory_space<vmem>>) target_semaphore(%run_scoped3A : memref<!tpu.dma_semaphore, #tpu.memory_space<semaphore_mem>>)
      %dma_wait3A = tpu.memref_slice %arg4[%mul3A_6] : memref<288768xf32, #tpu.memory_space<hbm>> -> memref<9024xf32, #tpu.memory_space<hbm>>
      %dma_wait3A_21 = tpu.memref_slice %arg4[%mul3A_6] : memref<288768xf32, #tpu.memory_space<hbm>> -> memref<9024xf32, #tpu.memory_space<hbm>>
      tpu.wait_dma2 semaphore(%run_scoped3A : memref<!tpu.dma_semaphore, #tpu.memory_space<semaphore_mem>>) src(%dma_wait3A_21 : memref<9024xf32, #tpu.memory_space<hbm>>) dst(%arg10 : memref<9024xf32, #tpu.memory_space<vmem>>)
      tpu.yield
    }) : () -> ()
    %mul3A_7 = arith.constant 3072 : i32
    %mul3A_8 = arith.muli %add3A, %mul3A_7 : i32
    "tpu.region"() ({
      %run_scoped3A = tpu.sem_alloc : memref<!tpu.dma_semaphore, #tpu.memory_space<semaphore_mem>>
      %dma_start3A = tpu.memref_slice %arg5[%mul3A_8] : memref<98304xf32, #tpu.memory_space<hbm>> -> memref<3072xf32, #tpu.memory_space<hbm>>
      %dma_start3A_20 = tpu.memref_slice %arg5[%mul3A_8] : memref<98304xf32, #tpu.memory_space<hbm>> -> memref<3072xf32, #tpu.memory_space<hbm>>
      tpu.enqueue_dma source(%dma_start3A_20 : memref<3072xf32, #tpu.memory_space<hbm>>) target(%arg11 : memref<3072xf32, #tpu.memory_space<vmem>>) target_semaphore(%run_scoped3A : memref<!tpu.dma_semaphore, #tpu.memory_space<semaphore_mem>>)
      %dma_wait3A = tpu.memref_slice %arg5[%mul3A_8] : memref<98304xf32, #tpu.memory_space<hbm>> -> memref<3072xf32, #tpu.memory_space<hbm>>
      %dma_wait3A_21 = tpu.memref_slice %arg5[%mul3A_8] : memref<98304xf32, #tpu.memory_space<hbm>> -> memref<3072xf32, #tpu.memory_space<hbm>>
      tpu.wait_dma2 semaphore(%run_scoped3A : memref<!tpu.dma_semaphore, #tpu.memory_space<semaphore_mem>>) src(%dma_wait3A_21 : memref<3072xf32, #tpu.memory_space<hbm>>) dst(%arg11 : memref<3072xf32, #tpu.memory_space<vmem>>)
      tpu.yield
    }) : () -> ()
    %mul3A_9 = arith.constant 3072 : i32
    %mul3A_10 = arith.muli %add3A, %mul3A_9 : i32
    "tpu.region"() ({
      %run_scoped3A = tpu.sem_alloc : memref<!tpu.dma_semaphore, #tpu.memory_space<semaphore_mem>>
      %dma_start3A = tpu.memref_slice %arg6[%mul3A_10] : memref<98304xi32, #tpu.memory_space<hbm>> -> memref<3072xi32, #tpu.memory_space<hbm>>
      %dma_start3A_20 = tpu.memref_slice %arg6[%mul3A_10] : memref<98304xi32, #tpu.memory_space<hbm>> -> memref<3072xi32, #tpu.memory_space<hbm>>
      tpu.enqueue_dma source(%dma_start3A_20 : memref<3072xi32, #tpu.memory_space<hbm>>) target(%arg12 : memref<3072xi32, #tpu.memory_space<vmem>>) target_semaphore(%run_scoped3A : memref<!tpu.dma_semaphore, #tpu.memory_space<semaphore_mem>>)
      %dma_wait3A = tpu.memref_slice %arg6[%mul3A_10] : memref<98304xi32, #tpu.memory_space<hbm>> -> memref<3072xi32, #tpu.memory_space<hbm>>
      %dma_wait3A_21 = tpu.memref_slice %arg6[%mul3A_10] : memref<98304xi32, #tpu.memory_space<hbm>> -> memref<3072xi32, #tpu.memory_space<hbm>>
      tpu.wait_dma2 semaphore(%run_scoped3A : memref<!tpu.dma_semaphore, #tpu.memory_space<semaphore_mem>>) src(%dma_wait3A_21 : memref<3072xi32, #tpu.memory_space<hbm>>) dst(%arg12 : memref<3072xi32, #tpu.memory_space<vmem>>)
      tpu.yield
    }) : () -> ()
    %iota3A = tpu.iota {dimensions = array<i32: 0>} : vector<16xi32>
    %broadcast_in_dim3A = arith.constant 0.000000e+00 : f32
    %broadcast_in_dim3A_11 = vector.broadcast %broadcast_in_dim3A : f32 to vector<16xf32>
    %scan3A = arith.constant 0 : i32
    %scan3A_12 = arith.constant 192 : i32
    %scan3A_13 = arith.addi %scan3A, %scan3A_12 : i32
    %scan3A_14 = arith.constant 1 : i32
    %scan3A_15 = scf.for %scan3A_20 = %scan3A to %scan3A_13 step %scan3A_14 iter_args(%scan3A_21 = %broadcast_in_dim3A_11) -> (vector<16xf32>)  : i32 {
      %mul3A_22 = arith.constant 16 : i32
      %mul3A_23 = arith.muli %scan3A_20, %mul3A_22 : i32
      %get3A = arith.index_cast %mul3A_23 : i32 to index
      %get3A_24 = tpu.vector_load %arg12[%get3A] {strides = array<i32>} : memref<3072xi32, #tpu.memory_space<vmem>>, vector<16xi32>,
      %mul3A_25 = arith.constant 3 : i32
      %mul3A_26 = vector.broadcast %mul3A_25 : i32 to vector<16xi32>
      %mul3A_27 = arith.muli %get3A_24, %mul3A_26 : vector<16xi32>
      %add3A_28 = vector.broadcast %mul3A_23 : i32 to vector<16xi32>
      %add3A_29 = arith.addi %add3A_28, %iota3A : vector<16xi32>
      %mul3A_30 = arith.constant 3 : i32
      %mul3A_31 = vector.broadcast %mul3A_30 : i32 to vector<16xi32>
      %mul3A_32 = arith.muli %add3A_29, %mul3A_31 : vector<16xi32>
      %gather3A = tpu.vector_load_idx %arg8[%mul3A_27] : memref<2336xf32, #tpu.memory_space<vmem>>[vector<16xi32>], vector<16xf32>,
      %add3A_33 = arith.constant 1 : i32
      %add3A_34 = vector.broadcast %add3A_33 : i32 to vector<16xi32>
      %add3A_35 = arith.addi %mul3A_27, %add3A_34 : vector<16xi32>
      %gather3A_36 = tpu.vector_load_idx %arg8[%add3A_35] : memref<2336xf32, #tpu.memory_space<vmem>>[vector<16xi32>], vector<16xf32>,
      %add3A_37 = arith.constant 2 : i32
      %add3A_38 = vector.broadcast %add3A_37 : i32 to vector<16xi32>
      %add3A_39 = arith.addi %mul3A_27, %add3A_38 : vector<16xi32>
      %gather3A_40 = tpu.vector_load_idx %arg8[%add3A_39] : memref<2336xf32, #tpu.memory_space<vmem>>[vector<16xi32>], vector<16xf32>,
      %gather3A_41 = tpu.vector_load_idx %arg9[%mul3A_27] : memref<2336xf32, #tpu.memory_space<vmem>>[vector<16xi32>], vector<16xf32>,
      %add3A_42 = arith.constant 1 : i32
      %add3A_43 = vector.broadcast %add3A_42 : i32 to vector<16xi32>
      %add3A_44 = arith.addi %mul3A_27, %add3A_43 : vector<16xi32>
      %gather3A_45 = tpu.vector_load_idx %arg9[%add3A_44] : memref<2336xf32, #tpu.memory_space<vmem>>[vector<16xi32>], vector<16xf32>,
      %add3A_46 = arith.constant 2 : i32
      %add3A_47 = vector.broadcast %add3A_46 : i32 to vector<16xi32>
      %add3A_48 = arith.addi %mul3A_27, %add3A_47 : vector<16xi32>
      %gather3A_49 = tpu.vector_load_idx %arg9[%add3A_48] : memref<2336xf32, #tpu.memory_space<vmem>>[vector<16xi32>], vector<16xf32>,
      %gather3A_50 = tpu.vector_load_idx %arg10[%mul3A_32] : memref<9024xf32, #tpu.memory_space<vmem>>[vector<16xi32>], vector<16xf32>,
      %add3A_51 = arith.constant 1 : i32
      %add3A_52 = vector.broadcast %add3A_51 : i32 to vector<16xi32>
      %add3A_53 = arith.addi %mul3A_32, %add3A_52 : vector<16xi32>
      %gather3A_54 = tpu.vector_load_idx %arg10[%add3A_53] : memref<9024xf32, #tpu.memory_space<vmem>>[vector<16xi32>], vector<16xf32>,
      %add3A_55 = arith.constant 2 : i32
      %add3A_56 = vector.broadcast %add3A_55 : i32 to vector<16xi32>
      %add3A_57 = arith.addi %mul3A_32, %add3A_56 : vector<16xi32>
      %gather3A_58 = tpu.vector_load_idx %arg10[%add3A_57] : memref<9024xf32, #tpu.memory_space<vmem>>[vector<16xi32>], vector<16xf32>,
      %sub3A = arith.subf %gather3A, %gather3A_50 : vector<16xf32>
      %mul3A_59 = arith.mulf %sub3A, %gather3A_41 : vector<16xf32>
      %sub3A_60 = arith.subf %gather3A_36, %gather3A_54 : vector<16xf32>
      %mul3A_61 = arith.mulf %sub3A_60, %gather3A_45 : vector<16xf32>
      %add3A_62 = arith.addf %mul3A_59, %mul3A_61 : vector<16xf32>
      %sub3A_63 = arith.subf %gather3A_40, %gather3A_58 : vector<16xf32>
      %mul3A_64 = arith.mulf %sub3A_63, %gather3A_49 : vector<16xf32>
      %add3A_65 = arith.addf %add3A_62, %mul3A_64 : vector<16xf32>
      %get3A_66 = arith.index_cast %mul3A_23 : i32 to index
      %get3A_67 = tpu.vector_load %arg11[%get3A_66] {strides = array<i32>} : memref<3072xf32, #tpu.memory_space<vmem>>, vector<16xf32>,
      %gt3A = arith.constant 0.000000e+00 : f32
      %gt3A_68 = vector.broadcast %gt3A : f32 to vector<16xf32>
      %gt3A_69 = arith.cmpf ogt, %add3A_65, %gt3A_68 : vector<16xf32>
      %add3A_70 = vector.broadcast %mul3A_23 : i32 to vector<16xi32>
      %add3A_71 = arith.addi %add3A_70, %iota3A : vector<16xi32>
      %lt3A = arith.constant 3000 : i32
      %lt3A_72 = vector.broadcast %lt3A : i32 to vector<16xi32>
      %lt3A_73 = arith.cmpi slt, %add3A_71, %lt3A_72 : vector<16xi32>
      %and3A = arith.andi %gt3A_69, %lt3A_73 : vector<16xi1>
      %jit3A = arith.constant 0.000000e+00 : f32
      %broadcast_in_dim3A_74 = vector.broadcast %jit3A : f32 to vector<16xf32>
      %select_n3A = arith.select %and3A, %get3A_67, %broadcast_in_dim3A_74 : vector<16xi1>, vector<16xf32>
      %add3A_75 = arith.addf %scan3A_21, %select_n3A : vector<16xf32>
      scf.yield %add3A_75 : vector<16xf32>
    }
    %scan3A_16 = arith.constant 192 : i32
    %swap3A = arith.constant 0 : index
    %swap3A_17 = tpu.vector_load %arg13[%swap3A] {strides = array<i32>} : memref<16xf32, #tpu.memory_space<vmem>>, vector<16xf32>,
    tpu.vector_store %arg13[%swap3A], %scan3A_15 {strides = array<i32>} : memref<16xf32, #tpu.memory_space<vmem>>, vector<16xf32>,
    %mul3A_18 = arith.constant 16 : i32
    %mul3A_19 = arith.muli %add3A, %mul3A_18 : i32
    "tpu.region"() ({
      %run_scoped3A = tpu.sem_alloc : memref<!tpu.dma_semaphore, #tpu.memory_space<semaphore_mem>>
      %dma_start3A = tpu.memref_slice %arg7[%mul3A_19] : memref<512xf32, #tpu.memory_space<hbm>> -> memref<16xf32, #tpu.memory_space<hbm>>
      %dma_start3A_20 = tpu.memref_slice %arg7[%mul3A_19] : memref<512xf32, #tpu.memory_space<hbm>> -> memref<16xf32, #tpu.memory_space<hbm>>
      tpu.enqueue_dma source(%arg13 : memref<16xf32, #tpu.memory_space<vmem>>) target(%dma_start3A_20 : memref<16xf32, #tpu.memory_space<hbm>>) target_semaphore(%run_scoped3A : memref<!tpu.dma_semaphore, #tpu.memory_space<semaphore_mem>>)
      %dma_wait3A = tpu.memref_slice %arg7[%mul3A_19] : memref<512xf32, #tpu.memory_space<hbm>> -> memref<16xf32, #tpu.memory_space<hbm>>
      %dma_wait3A_21 = tpu.memref_slice %arg7[%mul3A_19] : memref<512xf32, #tpu.memory_space<hbm>> -> memref<16xf32, #tpu.memory_space<hbm>>
      tpu.wait_dma2 semaphore(%run_scoped3A : memref<!tpu.dma_semaphore, #tpu.memory_space<semaphore_mem>>) src(%arg13 : memref<16xf32, #tpu.memory_space<vmem>>) dst(%dma_wait3A_21 : memref<16xf32, #tpu.memory_space<hbm>>)
      tpu.yield
    }) : () -> ()
    return
  }
}

module attributes {stable_mosaic.version = 14 : i64} {
  func.func @_tc_knn_body(%arg0: i32, %arg1: i32, %arg2: memref<1x8x384xf32, #tpu.memory_space<vmem>>, %arg3: memref<1x8x896xf32, #tpu.memory_space<vmem>>, %arg4: memref<1x1x384xf32, #tpu.memory_space<vmem>>, %arg5: memref<1x1x384xi32, #tpu.memory_space<vmem>>) attributes {dimension_semantics = [#tpu.dimension_semantics<parallel>, #tpu.dimension_semantics<parallel>], iteration_bounds = array<i64: 32, 8>, scalar_prefetch = 0 : i64, scratch_operands = 0 : i64, tpu.core_type = #tpu.core_type<tc>, window_params = [{transform_indices = @transform_0, window_bounds = array<i64: 1, 8, 384>}, {transform_indices = @transform_1, window_bounds = array<i64: 1, 8, 896>}, {transform_indices = @transform_2, window_bounds = array<i64: 1, 1, 384>}, {transform_indices = @transform_3, window_bounds = array<i64: 1, 1, 384>}]} {
    %get3A = arith.constant 0 : index
    %get3A_0 = arith.constant 0 : index
    %get3A_1 = arith.constant 0 : index
    %get3A_2 = vector.load %arg2[%get3A, %get3A_0, %get3A_1] : memref<1x8x384xf32, #tpu.memory_space<vmem>>, vector<1x8x384xf32>
    %get3A_3 = vector.shape_cast %get3A_2 : vector<1x8x384xf32> to vector<8x384xf32>
    %transpose3A = tpu.transpose %get3A_3, [1, 0] : vector<8x384xf32> -> vector<384x8xf32>
    %get3A_4 = arith.constant 0 : index
    %get3A_5 = arith.constant 0 : index
    %get3A_6 = arith.constant 0 : index
    %get3A_7 = vector.load %arg3[%get3A_4, %get3A_5, %get3A_6] : memref<1x8x896xf32, #tpu.memory_space<vmem>>, vector<1x8x896xf32>
    %get3A_8 = vector.shape_cast %get3A_7 : vector<1x8x896xf32> to vector<8x896xf32>
    %dot_general3A = arith.constant dense<0.000000e+00> : vector<384x896xf32>
    %dot_general3A_9 = tpu.matmul %transpose3A, %get3A_8, %dot_general3A {dimension_numbers = #tpu.dot_dimension_numbers<[1], [0], [0], [1], [0, 0, 1, 1], [], []>, transpose_lhs_hint = false} : vector<384x8xf32>, vector<8x896xf32>, vector<384x896xf32> -> vector<384x896xf32>
    %slice3A = vector.extract_strided_slice %get3A_8 {offsets = [3, 0], sizes = [1, 896], strides = [1, 1]} : vector<8x896xf32> to vector<1x896xf32>
    %slice3A_10 = vector.extract_strided_slice %get3A_8 {offsets = [5, 0], sizes = [1, 896], strides = [1, 1]} : vector<8x896xf32> to vector<1x896xf32>
    %slice3A_11 = vector.extract_strided_slice %transpose3A {offsets = [0, 4], sizes = [384, 1], strides = [1, 1]} : vector<384x8xf32> to vector<384x1xf32>
    %add3A = vector.broadcast %slice3A_11 : vector<384x1xf32> to vector<384x896xf32>
    %add3A_12 = vector.broadcast %slice3A : vector<1x896xf32> to vector<384x896xf32>
    %add3A_13 = arith.addf %add3A, %add3A_12 : vector<384x896xf32>
    %sub3A = arith.subf %add3A_13, %dot_general3A_9 : vector<384x896xf32>
    %reduce_min3A = arith.constant dense<0x7F800000> : vector<384xf32>
    %reduce_min3A_14 = vector.multi_reduction <minimumf>, %sub3A, %reduce_min3A [1] : vector<384x896xf32> to vector<384xf32>
    %broadcast_in_dim3A = vector.shape_cast %reduce_min3A_14 : vector<384xf32> to vector<384x1xf32>
    %eq3A = vector.broadcast %broadcast_in_dim3A : vector<384x1xf32> to vector<384x896xf32>
    %eq3A_15 = arith.cmpf oeq, %sub3A, %eq3A : vector<384x896xf32>
    %jit3A = arith.constant 1.07374182E+9 : f32
    %broadcast_in_dim3A_16 = vector.shape_cast %slice3A_10 : vector<1x896xf32> to vector<1x896xf32>
    %broadcast_in_dim3A_17 = vector.broadcast %broadcast_in_dim3A_16 : vector<1x896xf32> to vector<384x896xf32>
    %broadcast_in_dim3A_18 = vector.broadcast %jit3A : f32 to vector<384x896xf32>
    %select_n3A = arith.select %eq3A_15, %broadcast_in_dim3A_17, %broadcast_in_dim3A_18 : vector<384x896xi1>, vector<384x896xf32>
    %reduce_min3A_19 = arith.constant dense<0x7F800000> : vector<384xf32>
    %reduce_min3A_20 = vector.multi_reduction <minimumf>, %select_n3A, %reduce_min3A_19 [1] : vector<384x896xf32> to vector<384xf32>
    %broadcast_in_dim3A_21 = vector.shape_cast %reduce_min3A_20 : vector<384xf32> to vector<384x1xf32>
    %transpose3A_22 = tpu.transpose %broadcast_in_dim3A, [1, 0] : vector<384x1xf32> -> vector<1x384xf32>
    %swap3A = arith.constant 0 : index
    %swap3A_23 = arith.constant 0 : index
    %swap3A_24 = arith.constant 0 : index
    %swap3A_25 = vector.load %arg4[%swap3A, %swap3A_23, %swap3A_24] : memref<1x1x384xf32, #tpu.memory_space<vmem>>, vector<1x1x384xf32>
    %swap3A_26 = vector.shape_cast %swap3A_25 : vector<1x1x384xf32> to vector<1x384xf32>
    %swap3A_27 = vector.shape_cast %transpose3A_22 : vector<1x384xf32> to vector<1x1x384xf32>
    tpu.vector_store %arg4[%swap3A, %swap3A_23, %swap3A_24], %swap3A_27 {strides = array<i32>} : memref<1x1x384xf32, #tpu.memory_space<vmem>>, vector<1x1x384xf32>,
    %convert_element_type3A = arith.fptosi %broadcast_in_dim3A_21 : vector<384x1xf32> to vector<384x1xi32>
    %transpose3A_28 = tpu.transpose %convert_element_type3A, [1, 0] : vector<384x1xi32> -> vector<1x384xi32>
    %swap3A_29 = arith.constant 0 : index
    %swap3A_30 = arith.constant 0 : index
    %swap3A_31 = arith.constant 0 : index
    %swap3A_32 = vector.load %arg5[%swap3A_29, %swap3A_30, %swap3A_31] : memref<1x1x384xi32, #tpu.memory_space<vmem>>, vector<1x1x384xi32>
    %swap3A_33 = vector.shape_cast %swap3A_32 : vector<1x1x384xi32> to vector<1x384xi32>
    %swap3A_34 = vector.shape_cast %transpose3A_28 : vector<1x384xi32> to vector<1x1x384xi32>
    tpu.vector_store %arg5[%swap3A_29, %swap3A_30, %swap3A_31], %swap3A_34 {strides = array<i32>} : memref<1x1x384xi32, #tpu.memory_space<vmem>>, vector<1x1x384xi32>,
    return
  }
  func.func @transform_0(%arg0: i32, %arg1: i32) -> (i32, i32, i32) {
    %c0_i32 = arith.constant 0 : i32
    %c0_i32_0 = arith.constant 0 : i32
    return %arg0, %c0_i32, %arg1 : i32, i32, i32
  }
  func.func @transform_1(%arg0: i32, %arg1: i32) -> (i32, i32, i32) {
    %c0_i32 = arith.constant 0 : i32
    %c0_i32_0 = arith.constant 0 : i32
    %c0_i32_1 = arith.constant 0 : i32
    return %arg0, %c0_i32, %c0_i32_0 : i32, i32, i32
  }
  func.func @transform_2(%arg0: i32, %arg1: i32) -> (i32, i32, i32) {
    %mul3A = arith.constant 8 : i32
    %mul3A_0 = arith.muli %arg0, %mul3A : i32
    %add3A = arith.addi %mul3A_0, %arg1 : i32
    %c0_i32 = arith.constant 0 : i32
    %c0_i32_1 = arith.constant 0 : i32
    %c0_i32_2 = arith.constant 0 : i32
    return %add3A, %c0_i32, %c0_i32_1 : i32, i32, i32
  }
  func.func @transform_3(%arg0: i32, %arg1: i32) -> (i32, i32, i32) {
    %mul3A = arith.constant 8 : i32
    %mul3A_0 = arith.muli %arg0, %mul3A : i32
    %add3A = arith.addi %mul3A_0, %arg1 : i32
    %c0_i32 = arith.constant 0 : i32
    %c0_i32_1 = arith.constant 0 : i32
    %c0_i32_2 = arith.constant 0 : i32
    return %add3A, %c0_i32, %c0_i32_1 : i32, i32, i32
  }
}

</mosaic_0001>

<sc_bundles>
// kernel: kernel.4.cloned.1.call-start
scs
__scs_entry_jumppad:
0x0: {  	(pc) =	sbr.rel $0x88, $3  }
0x1: {  	(tag) =	ssettag $0x0;
	lr =	simm.s32 $0x1  }
0x2: {  	[smem:$0x3F9E] =	sst lr;
	_ =	strace $0xD0000000  }
0x3: {  	_ = 	snop  }
0x4: {  	_ = 	snop  }
0x5: {  	_ = 	snop  }
0x6: {  	_ = 	snop  }
0x7: {  	_ = 	snop  }
__scs_overlays_trampoline_lowered:
0x8: {  	[smem:$0x3FAD] =	sst s0  }
0x9: {  	[smem:$0x3FAE] =	sst s1  }
0xa: {  	[smem:$0x3FAF] =	sst s2  }
0xb: {  	[smem:$0x3FB0] =	sst s3  }
0xc: {  	[smem:$0x3FB1] =	sst s4  }
0xd: {  	[smem:$0x3FB2] =	sst s5  }
0xe: {  	[smem:$0x3FB3] =	sst s6  }
0xf: {  	[smem:$0x3FB4] =	sst s7  }
0x10: {  	[smem:$0x3FB5] =	sst s8  }
0x11: {  	[smem:$0x3FB6] =	sst s9;
	s0 =	simm.s32 @!p0 $0x0  }
0x12: {  	s1 =	sld [smem:$0x3F9C];
	s0 =	simm.s32 @p0 $0x1  }
0x13: {  	[smem:$0x3FB7] =	sst s0;
	s0 =	simm.s32 @!p1 $0x0  }
0x14: {  	s2 =	sld [smem:$0x3F9B];
	s0 =	simm.s32 @p1 $0x1  }
0x15: {  	[smem:$0x3FB8] =	sst s0;
	s0 =	simm.s32 @!p2 $0x0  }
0x16: {  	s3 =	sld [smem:$0x3FDB];
	s0 =	simm.s32 @p2 $0x1  }
0x17: {  	s4 =	simm.s32 $0x1BF5;
	[smem:$0x3FBA] =	sst s0  }
0x18: {  	s0 =	sld [smem:$0x3F9D];
	_ =	swait.ge [sflag:s4], $0x0  }
0x19: {  	s7 =	sld [smem:$0x3F9E]  }
0x1a: {  	s8 =	sadd.s32 $0xFFFFE003, lr  }
0x1b: {  	s9 =	sadd.s32 $0xFFFFFEF7, lr;
	s5 =	simm.s32 $0xFFFFFFFF;
	p2 =	slt.u32 s8, $0xFFFFF086  }
0x1c: {  	p1 =	slt.u32 s9, $0xF7A;
	s5 =	simm.s32 @!p2 $0x0  }
0x1d: {  	s5 =	simm.s32 @p1 $0x1;
	p0 =	seq.s32 s7, s2  }
0x1e: {  	s7 =	smul.u32 @!p0 $0xF7A, s2;
	p2 =	seq.s32 @!p0 s5, $0x0  }
0x1f: {  	s9 =	smul.u32 $0xF7A, s1;
	s8 =	simm.s32 @!p0 $0x1BF5;
	p2 =	por !p2, p0  }
0x20: {  	[sflag:s8] =	ssyncset.s32 @!p0 $0xFFFFF086;
	s6 =	sadd.s32 @!p0 s3, s7;
	s7 =	simm.s32 @!p0 $0x108  }
0x21: {  	s3 =	sadd.s32 s3, s9;
	s6 =	sadd.s32 @!p0 $0x88, s6;
	s7 =	simm.s32 @p2 $0x1082  }
0x22: {  	[simem:s7], [sflag:s8] =	dma.local @!p0 [hbm:s6], $0xF7A  }
0x23: {  	s9 =	sor.u32 $0xD0000000, s2;
	s6 =	simm.s32 $0x108;
	_ =	swait.ge @!p0 [sflag:s8], $0x0  }
0x24: {  	s3 =	sadd.s32 $0x88, s3;
	s6 =	simm.s32 @!p1 $0x1082;
	[sflag:s4] =	ssyncset.s32 $0xFFFFF086  }
0x25: {  	[simem:s6], [sflag:s4] =	dma.local [hbm:s3], $0xF7A  }
0x26: {  	[smem:$0x3F9E] =	sst s1;
	(tag) =	ssettag s2;
	_ =	strace s9  }
0x27: {  	s1 =	sld [smem:$0x3FAE]  }
0x28: {  	s2 =	sld [smem:$0x3FAF]  }
0x29: {  	s4 =	sld [smem:$0x3FB1]  }
0x2a: {  	p0 =	seq.s32 s5, $0x0;
	s5 =	sld [smem:$0x3FB2]  }
0x2b: {  	s6 =	sld [smem:$0x3FB3]  }
0x2c: {  	s7 =	sld [smem:$0x3FB4]  }
0x2d: {  	s3 =	simm.s32 $0x108;
	s8 =	sld [smem:$0x3FB5]  }
0x2e: {  	s3 =	simm.s32 @!p0 $0x1082;
	s9 =	sld [smem:$0x3FB6]  }
0x2f: {  	lr =	sadd.s32 s0, s3;
	s0 =	sld [smem:$0x3FAD]  }
0x30: {  	s3 =	sld [smem:$0x3FB0]  }
0x31: {  	[smem:$0x3FB9] =	sst s10  }
0x32: {  	s10 =	sld [smem:$0x3FB7];
	_ =	sdelay $0x3  }
0x33: {  	p0 =	seq.s32 s10, $0x1;
	s10 =	sld [smem:$0x3FB9];
	_ =	sdelay $0x3  }
0x34: {  	[smem:$0x3FB9] =	sst s10  }
0x35: {  	s10 =	sld [smem:$0x3FB8];
	_ =	sdelay $0x3  }
0x36: {  	p1 =	seq.s32 s10, $0x1;
	s10 =	sld [smem:$0x3FB9];
	_ =	sdelay $0x3  }
0x37: {  	[smem:$0x3FB9] =	sst s10  }
0x38: {  	s10 =	sld [smem:$0x3FBA]  }
0x39: {  	_ = 	snop;
	(pc) =	sbr.ind lr, $3  }
0x3a: {  	_ = 	snop  }
0x3b: {  	_ = 	snop  }
0x3c: {  	p2 =	seq.s32 s10, $0x1;
	s10 =	sld [smem:$0x3FB9]  }
0x3d: {  	_ =	shalt  }
0x3e: {  	_ =	shalt  }
0x3f: {  	_ =	shalt  }
0x40: {  	_ =	shalt  }
0x41: {  	_ =	shalt  }
0x42: {  	_ =	shalt  }
0x43: {  	_ =	shalt  }
0x44: {  	_ =	shalt  }
0x45: {  	_ =	shalt  }
0x46: {  	_ =	shalt  }
0x47: {  	_ =	shalt  }
0x48: {  	_ =	shalt  }
0x49: {  	_ =	shalt  }
0x4a: {  	_ =	shalt  }
0x4b: {  	_ =	shalt  }
0x4c: {  	_ =	shalt  }
0x4d: {  	_ =	shalt  }
0x4e: {  	_ =	shalt  }
0x4f: {  	_ =	shalt  }
0x50: {  	_ =	shalt  }
0x51: {  	_ =	shalt  }
0x52: {  	_ =	shalt  }
0x53: {  	_ =	shalt  }
0x54: {  	_ =	shalt  }
0x55: {  	_ =	shalt  }
0x56: {  	_ =	shalt  }
0x57: {  	_ =	shalt  }
0x58: {  	_ =	shalt  }
0x59: {  	_ =	shalt  }
0x5a: {  	_ =	shalt  }
0x5b: {  	_ =	shalt  }
0x5c: {  	_ =	shalt  }
0x5d: {  	_ =	shalt  }
0x5e: {  	_ =	shalt  }
0x5f: {  	_ =	shalt  }
0x60: {  	_ =	shalt  }
0x61: {  	_ =	shalt  }
0x62: {  	_ =	shalt  }
0x63: {  	_ =	shalt  }
0x64: {  	_ =	shalt  }
0x65: {  	_ =	shalt  }
0x66: {  	_ =	shalt  }
0x67: {  	_ =	shalt  }
0x68: {  	_ =	shalt  }
0x69: {  	_ =	shalt  }
0x6a: {  	_ =	shalt  }
0x6b: {  	_ =	shalt  }
0x6c: {  	_ =	shalt  }
0x6d: {  	_ =	shalt  }
0x6e: {  	_ =	shalt  }
0x6f: {  	_ =	shalt  }
0x70: {  	_ =	shalt  }
0x71: {  	_ =	shalt  }
0x72: {  	_ =	shalt  }
0x73: {  	_ =	shalt  }
0x74: {  	_ =	shalt  }
0x75: {  	_ =	shalt  }
0x76: {  	_ =	shalt  }
0x77: {  	_ =	shalt  }
0x78: {  	_ =	shalt  }
0x79: {  	_ =	shalt  }
0x7a: {  	_ =	shalt  }
0x7b: {  	_ =	shalt  }
0x7c: {  	_ =	shalt  }
0x7d: {  	_ =	shalt  }
0x7e: {  	_ =	shalt  }
0x7f: {  	_ =	shalt  }
0x80: {  	_ =	shalt  }
0x81: {  	_ =	shalt  }
0x82: {  	_ =	shalt  }
0x83: {  	_ =	shalt  }
0x84: {  	_ =	shalt  }
0x85: {  	_ =	shalt  }
0x86: {  	_ =	shalt  }
0x87: {  	_ =	shalt  }
.Lfunc_end0:
.L_simem_size_0:
called_computation_lowered:
.L_overlay_start_0:
0x88: {  	s2 =	sld [smem:$0x3FD9]  }
0x89: {  	s3 =	sld [smem:$0x3FFE];
	_ =	sdelay $0x1  }
0x8a: {  	s1 =	srdreg.scid  }
0x8b: {  	s0 =	sand.u32 $0x1, s1  }
0x8c: {  	s16 =	sshll.u32 s0, $0xA;
	s2 =	sadd.s32 s3, s2  }
0x8d: {  	s2 =	sadd.s32 s2, s16  }
0x8e: {  	[smem:$0x3FC5] =	sst s2  }
0x8f: {  	_ = 	snop  }
0x90: {  	(tm) =	ssettm $0x1  }
0x91: {  	s17 =	sld [smem:$0x3FFB];
	_ =	sdelay $0x3  }
0x92: {  	_ =	strace s17  }
0x93: {  	s2 =	sld [smem:$0x3FFC];
	_ =	sdelay $0x3  }
0x94: {  	_ =	strace s2  }
0x95: {  	s2 =	sld [smem:$0x3FFD];
	_ =	sdelay $0x3  }
0x96: {  	_ =	strace s2  }
0x97: {  	_ =	strace $0x8FFFFFFF  }
0x98: {  	s18 =	sld [smem:$0x3FDB];
	_ =	sdelay $0x1  }
0x99: {  	s19 =	simm.s32 $_scs_section_size  }
0x9a: {  	s4 =	simm.s32 $_size__tile_overlayer_lowered;
	s5 =	simm.s32 $_tile_overlayer_lowered  }
0x9b: {  	s22 =	simm.s32 $0x1BFF;
	s21 =	sshll.u32 s5, $0x1;
	s2 =	sadd.s32 s19, s18  }
0x9c: {  	s6 =	simm.s32 $0x0;
	s20 =	sshll.u32 s4, $0x1;
	s4 =	sadd.s32 s21, s2  }
0x9d: {  	[timem:s6], [sflag:s22] =	dma.local [hbm:s4], s20  }
0x9e: {  	_ =	swait.ge [sflag:s22], s20  }
0x9f: {  	s3 =	ssub.s32 $0x0, s20;
	[sflag:s22] =	ssyncset.done $0x0  }
0xa0: {  	[sflag:s22] =	ssyncadd.s32 s3;
	_ =	sdelay $0x1  }
0xa1: {  	s23 =	simm.s32 $0x1B8B  }
0xa2: {  	_ =	swait.ge [sflag:s23], $0x1  }
0xa3: {  	[sflag:s23] =	ssyncset.done $0x0  }
0xa4: {  	s25 =	simm.s32 $0x1B8E;
	s24 =	sld [smem:$0x3FFE];
	[sflag:s23] =	ssyncadd.s32 $0xFFFFFFFF  }
0xa5: {  	s26 =	simm.s32 $execute0_lowered;
	[smem:$0x3FD2] =	sst s25  }
0xa6: {  	s4 =	sshll.u32 s26, $0x1;
	_ =	strace $0x80000046;
	[dreg:$0x1] =	wrdreg $0xFFFFFFFF  }
0xa7: {  	s28 =	simm.s32 $_size_execute0_lowered;
	s2 =	sadd.s32 s2, s4;
	[dreg:$0x0] =	wrdreg $0x0  }
0xa8: {  	s4 =	sshll.u32 s28, $0x1;
	[dreg:$0x2] =	wrdreg s2  }
0xa9: {  	[dreg:$0x3] =	wrdreg s4  }
0xaa: {  	[dreg:$0x4] =	wrdreg $0xC0  }
0xab: {  	_ =	task [dreg:s6], $0x5FFFF  }
0xac: {  	[dreg:$0x1] =	wrdreg $0xFFFFFFFF  }
0xad: {  	[dreg:$0x0] =	wrdreg $0x60  }
0xae: {  	[dreg:$0x2] =	wrdreg s24  }
0xaf: {  	[dreg:$0x3] =	wrdreg $0x9  }
0xb0: {  	_ =	task.clear_ibuf [dreg:s6], $0x4FFFF;
	_ =	strace $0x90000046  }
0xb1: {  	s29 =	simm.s32 $0x9;
	_ =	strace $0x80000048  }
0xb2: {  	_ =	swait.ge [sflag:s29], $0x1  }
0xb3: {  	[sflag:s29] =	ssyncadd.s32 $0xFFFFFFFF  }
0xb4: {  	_ =	strace $0x90000048  }
0xb5: {  	_ =	sfence  }
0xb6: {  	s30 =	sld [smem:$0x0];
	_ =	sdelay $0x2  }
0xb7: {  	s31 =	sshll.u32 s1, $0xD;
	s1 =	sshrl.u32 s1, $0x2  }
0xb8: {  	s3 =	sand.u32 $0x4000, s31;
	s1 =	sadd.s32 s1, s30  }
0xb9: {  	s0 =	sor.u32 s3, s0;
	s1 =	sshll.u32 s1, $0x11  }
0xba: {  	s0 =	sor.u32 s1, s0  }
0xbb: {  	s0 =	sadd.s32 $0x8F2B, s0  }
0xbc: {  	[sflag:s0] =	ssyncadd.remote.s32 $0x1  }
0xbd: {  	_ =	sfence.sel $0xFFFF  }
0xbe: {  	[dreg:$0x0] =	wrdreg $0xFFFFFFFF;
	(pc) =	sbr.abs _section_cstart, $3  }
0xbf: {  	[dreg:$0x1] =	wrdreg $0xFFFFFFFF  }
0xc0: {  	_ =	task.clear_ibuf [dreg:s6], $0x2FFFF;
	_ =	strace $0x9FFFFFFF  }
0xc1: {  	(tm) =	ssettm $0x7FFFFFFF  }
tec
execute0_lowered:
.L_overlay_start_1:
0x0: {  	(tag) =	ssettag $0x1  }
0x1: {  	s1 =	srdreg.scid  }
0x2: {  	s0 =	stileid.u32;
	s3 =	rddreg [dreg:$0x0]  }
0x3: {  	s2 =	simm.s32 $0x0;
	s4 =	sand.u32 $0x1, s1;
	s5 =	sshll.u32 s0, $0x1  }
0x4: {  	s11 =	simm.s32 $0x980;
	s12 =	simm.s32 $0x1300;
	s5 =	sor.u32 s4, s5  }
0x5: {  	s13 =	simm.s32 $0x4E80;
	s1 =	rddreg [dreg:$0x1];
	s6 =	smul.u32 $0x124, s5  }
0x6: {  	s14 =	simm.s32 $0x0;
	[smem:$0x7FF] =	sst s2;
	s7 =	smul.u32 $0x468, s5  }
0x7: {  	s4 =	ssub.s32 $0x2, s4;
	s8 =	smul.u32 $0x180, s5;
	s5 =	sshll.u32 s5, $0x1  }
0x8: {  	_ =	strace $0x80000047;
	s9 =	sshrl.u32 s4, $0x1;
	s10 =	sadd.s32 s5, s3  }
0x9: {  	s9 =	ssub.s32 s4, s9;
	s6 =	sadd.s32 s6, s3;
	s7 =	sadd.s32 s7, s3  }
0xa: {  	s8 =	sadd.s32 s8, s3;
	s9 =	smax.u32 s9, $0x1;
	s3 =	sadd.s32 $0x200, s6  }
0xb: {  	s4 =	sadd.s32 $0x2800, s6;
	s5 =	sadd.s32 $0x4E00, s7;
	s6 =	sadd.s32 $0xDC00, s8  }
0xc: {  	v0 =	vlaneseq.u32;
	s7 =	sadd.s32 $0x10C00, s8;
	s8 =	sadd.s32 $0x13C00, s10;
	s10 =	simm.s32 $0x1  }
.LBB2_1:
0xd: {  	[tilespmem:s2], [sflag:$0x1] =	stream.linear.gather [hbm4b:s3+s2], $0x920, $0x38;
	[tilespmem:$0x4F00] =	vst v63  }
0xe: {  	_ =	swait.ge [sflag:s10], $0x920  }
0xf: {  	[sflag:s10] =	ssyncset.done $0x0  }
0x10: {  	[sflag:s10] =	ssyncadd.s32 $0xFFFFF6E0  }
0x11: {  	[tilespmem:s11], [sflag:$0x1] =	stream.linear.gather [hbm4b:s4+s2], $0x920, $0x38;
	[tilespmem:$0x4F00] =	vst v63  }
0x12: {  	_ =	swait.ge [sflag:s10], $0x920  }
0x13: {  	[sflag:s10] =	ssyncset.done $0x0  }
0x14: {  	[sflag:s10] =	ssyncadd.s32 $0xFFFFF6E0  }
0x15: {  	[tilespmem:s12], [sflag:$0x1] =	stream.linear.gather [hbm4b:s5+s2], $0x2340, $0x38;
	[tilespmem:$0x4F00] =	vst v63  }
0x16: {  	_ =	swait.ge [sflag:s10], $0x2340  }
0x17: {  	[sflag:s10] =	ssyncset.done $0x0  }
0x18: {  	s15 =	simm.s32 $0x3680;
	[sflag:s10] =	ssyncadd.s32 $0xFFFFDCC0  }
0x19: {  	[tilespmem:s15], [sflag:$0x1] =	stream.linear.gather [hbm4b:s6+s2], $0xC00, $0x38;
	[tilespmem:$0x4F00] =	vst v63  }
0x1a: {  	_ =	swait.ge [sflag:s10], $0xC00  }
0x1b: {  	[sflag:s10] =	ssyncset.done $0x0  }
0x1c: {  	s16 =	simm.s32 $0x4280;
	[sflag:s10] =	ssyncadd.s32 $0xFFFFF400  }
0x1d: {  	[tilespmem:s16], [sflag:$0x1] =	stream.linear.gather [hbm4b:s7+s2], $0xC00, $0x38;
	[tilespmem:$0x4F00] =	vst v63  }
0x1e: {  	_ =	swait.ge [sflag:s10], $0xC00  }
0x1f: {  	[sflag:s10] =	ssyncset.done $0x0  }
0x20: {  	v2 =	vor.u32 s2, v0;
	[sflag:s10] =	ssyncadd.s32 $0xFFFFF400  }
0x21: {  	v3 =	vmul.u32 $0x3, v2;
	v1 =	vld [tilespmem:s16+$0x0];
	_ =	sdelay $0x1  }
0x22: {  	v4 =	vadd.s32 $0x2, v3;
	_ =	sdelay $0x2  }
0x23: {  	s30 =	simm.s32 $0x4290;
	v5 =	vmul.u32 $0x3, v1;
	v1 =	vadd.s32 $0x1, v3  }
0x24: {  	v6 =	vld [tilespmem:s30+$0x0]  }
0x25: {  	v11 =	vld.idx.msk [tilespmem:v4+s12+$0x0], $0xffff  }
0x26: {  	v4 =	vld [tilespmem:s15+$0x0];
	v7 =	vadd.s32 $0x1, v5  }
0x27: {  	v3 =	vld.idx.msk [tilespmem:v3+s12+$0x0], $0xffff;
	v8 =	vadd.s32 $0x2, v5  }
0x28: {  	s31 =	simm.s32 $0x10;
	v9 =	vld.idx.msk [tilespmem:v1+s12+$0x0], $0xffff  }
0x29: {  	v1 =	vor.u32 s31, v0;
	v12 =	vld.idx.msk [tilespmem:v5+s11+$0x0], $0xffff  }
0x2a: {  	v5 =	vld.idx.msk [tilespmem:v5+s2+$0x0], $0xffff;
	v13 =	vmul.u32 $0x3, v1  }
0x2b: {  	v14 =	vld.idx.msk [tilespmem:v7+s2+$0x0], $0xffff  }
0x2c: {  	v15 =	vld.idx.msk [tilespmem:v8+s2+$0x0], $0xffff;
	v16 =	vadd.s32 $0x2, v13  }
0x2d: {  	s16 =	simm.s32 $0x42A0;
	v17 =	vmul.u32 $0x3, v6;
	v7 =	vld.idx.msk [tilespmem:v7+s11+$0x0], $0xffff;
	v6 =	vadd.s32 $0x1, v13  }
0x2e: {  	v10 =	vld [tilespmem:s16+$0x0]  }
0x2f: {  	v18 =	vld.idx.msk [tilespmem:v8+s11+$0x0], $0xffff  }
0x30: {  	v3 =	vsub.f32 v5, v3;
	v5 =	vld.idx.msk [tilespmem:v13+s12+$0x0], $0xffff;
	v8 =	vsub.f32 v14, v9;
	v13 =	vadd.s32 $0x1, v17  }
0x31: {  	v15 =	vsub.f32 v15, v11;
	v11 =	vadd.s32 $0x2, v17;
	v9 =	vld.idx.msk [tilespmem:v16+s12+$0x0], $0xffff  }
0x32: {  	v6 =	vld.idx.msk [tilespmem:v6+s12+$0x0], $0xffff;
	v14 =	vmul.f32 v3, v12;
	v16 =	vmul.f32 v8, v7  }
0x33: {  	s17 =	simm.s32 $0x20;
	v3 =	vimm.f32 $0.0e+00;
	v12 =	vld.idx.msk [tilespmem:v17+s2+$0x0], $0xffff  }
0x34: {  	v8 =	vld.idx.msk [tilespmem:v17+s11+$0x0], $0xffff;
	v7 =	vor.u32 s17, v0;
	s17 =	simm.s32 $0x30;
	v15 =	vmul.f32 v15, v18;
	v14 =	vadd.f32 v16, v14  }
.LBB2_2:
0x35: {  	p0 =	sne.s32 s17, $0xBF0;
	v16 =	vmul.u32 $0x3, v7;
	v17 =	vld.idx.msk [tilespmem:v13+s2+$0x0], $0xffff  }
0x36: {  	v18 =	vld.idx.msk [tilespmem:v11+s2+$0x0], $0xffff;
	v14 =	vadd.f32 v15, v14  }
0x37: {  	vm0 =	vlt.u32 v2, $0xBB8;
	s15 =	sadd.s32 $0x10, s15;
	v2 =	vmovc v1;
	v1 =	vmovc v7;
	v20 =	vmov v9;
	v15 =	vadd.s32 $0x2, v16;
	v19 =	vld.idx.msk [tilespmem:v13+s11+$0x0], $0xffff  }
0x38: {  	v21 =	vmul.u32 $0x3, v10;
	v7 =	vadd.s32 $0x1, v16;
	v22 =	vld [tilespmem:s15+$0x0];
	vm1 =	vgt.f32 v14, $0.0e+00  }
0x39: {  	s16 =	sadd.s32 $0x10, s16;
	v23 =	vld.idx.msk [tilespmem:v11+s11+$0x0], $0xffff;
	vm0 =	vmand vm0, vm1  }
0x3a: {  	v12 =	vsub.f32 v12, v5;
	v10 =	vld [tilespmem:s16+$0x0];
	v4 =	vnsel vm0, $0x0, v4  }
.Ltmp0:
0x3b: {  	v13 =	vadd.s32 $0x1, v21;
	v14 =	vsub.f32 v17, v6;
	v5 =	vld.idx.msk [tilespmem:v16+s12+$0x0], $0xffff;
	v3 =	vadd.f32 v4, v3;
	(pc) =	sbr.rel @p0 .LBB2_2-.Ltmp0, $4  }
0x3c: {  	v11 =	vadd.s32 $0x2, v21;
	v9 =	vld.idx.msk [tilespmem:v15+s12+$0x0], $0xffff  }
0x3d: {  	v16 =	vsub.f32 v18, v20;
	v15 =	vmul.f32 v12, v8;
	v14 =	vmul.f32 v14, v19;
	v6 =	vld.idx.msk [tilespmem:v7+s12+$0x0], $0xffff  }
0x3e: {  	v4 =	vmov v22;
	v8 =	vld.idx.msk [tilespmem:v21+s11+$0x0], $0xffff  }
0x3f: {  	v7 =	vor.u32 s17, v0;
	s17 =	sadd.s32 $0x10, s17;
	v14 =	vadd.f32 v14, v15;
	v15 =	vmul.f32 v16, v23;
	v12 =	vld.idx.msk [tilespmem:v21+s2+$0x0], $0xffff  }
0x40: {  	_ =	sdelay $0x1  }
0x41: {  	v16 =	vmul.u32 $0x3, v7  }
0x42: {  	v10 =	vmul.u32 $0x3, v10  }
0x43: {  	v17 =	vld.idx.msk [tilespmem:v13+s2+$0x0], $0xffff  }
0x44: {  	v19 =	vld.idx.msk [tilespmem:v11+s2+$0x0], $0xffff  }
0x45: {  	v52 =	vld.idx.msk [tilespmem:v13+s11+$0x0], $0xffff;
	v18 =	vadd.s32 $0x2, v16  }
0x46: {  	v53 =	vld.idx.msk [tilespmem:v11+s11+$0x0], $0xffff;
	v20 =	vadd.s32 $0x1, v16  }
0x47: {  	v21 =	vadd.s32 $0x1, v10;
	v16 =	vld.idx.msk [tilespmem:v16+s12+$0x0], $0xffff  }
0x48: {  	v22 =	vadd.s32 $0x2, v10;
	v23 =	vld.idx.msk [tilespmem:v10+s11+$0x0], $0xffff  }
0x49: {  	v10 =	vld.idx.msk [tilespmem:v10+s2+$0x0], $0xffff  }
0x4a: {  	v18 =	vld.idx.msk [tilespmem:v18+s12+$0x0], $0xffff  }
0x4b: {  	v20 =	vld.idx.msk [tilespmem:v20+s12+$0x0], $0xffff  }
0x4c: {  	v24 =	vld.idx.msk [tilespmem:v21+s2+$0x0], $0xffff  }
0x4d: {  	v25 =	vld.idx.msk [tilespmem:v22+s2+$0x0], $0xffff  }
0x4e: {  	v5 =	vsub.f32 v12, v5;
	v6 =	vsub.f32 v17, v6;
	v54 =	vld.idx.msk [tilespmem:v21+s11+$0x0], $0xffff;
	_ =	sdelay $0x1  }
0x4f: {  	v55 =	vsub.f32 v19, v9;
	v5 =	vmul.f32 v5, v8;
	v6 =	vmul.f32 v6, v52;
	v56 =	vld.idx.msk [tilespmem:v22+s11+$0x0], $0xffff  }
0x50: {  	vm0 =	vlt.u32 v2, $0xBB8;
	v2 =	vsub.f32 v10, v16;
	v57 =	vsub.f32 v24, v20  }
0x51: {  	v14 =	vadd.f32 v15, v14;
	v58 =	vmul.f32 v55, v53;
	v5 =	vadd.f32 v6, v5  }
0x52: {  	s15 =	sadd.s32 $0x10, s15;
	v60 =	vsub.f32 v25, v18;
	v2 =	vmul.f32 v2, v23;
	v59 =	vmul.f32 v57, v54  }
0x53: {  	v61 =	vld [tilespmem:s15+$0x0];
	vm1 =	vgt.f32 v14, $0.0e+00  }
0x54: {  	s15 =	sadd.s32 $0x10, s15;
	v5 =	vadd.f32 v58, v5;
	v62 =	vmul.f32 v60, v56;
	v2 =	vadd.f32 v59, v2  }
0x55: {  	vm12 =	vlt.u32 v1, $0xBB8;
	v63 =	vld [tilespmem:s15+$0x0];
	vm0 =	vmand vm0, vm1  }
0x56: {  	v4 =	vnsel vm0, $0x0, v4;
	vm13 =	vgt.f32 v5, $0.0e+00;
	v1 =	vadd.f32 v62, v2  }
0x57: {  	vm0 =	vmand vm12, vm13;
	v2 =	vadd.f32 v4, v3  }
0x58: {  	vm14 =	vlt.u32 v7, $0xBB8;
	v3 =	vnsel vm0, $0x0, v61;
	vm15 =	vgt.f32 v1, $0.0e+00  }
0x59: {  	v1 =	vadd.f32 v3, v2;
	vm0 =	vmand vm14, vm15  }
0x5a: {  	v2 =	vnsel vm0, $0x0, v63  }
0x5b: {  	s14 =	sadd.s32 $0x1, s14;
	v1 =	vadd.f32 v2, v1  }
0x5c: {  	p0 =	sne.s32 s14, s9  }
.Ltmp1:
0x5d: {  	[tilespmem:$0x4E80] =	vst v1;
	(pc) =	sbr.rel @p0 .LBB2_1-.Ltmp1, $4  }
0x5e: {  	[hbm4b:s8+s2] =	stream.linear.scatter [tilespmem:s13], [sflag:$0x1], $0x10, $0x38;
	[tilespmem:$0x4F00] =	vst v63  }
0x5f: {  	_ =	swait.ge [sflag:s10], $0x10  }
0x60: {  	[sflag:s10] =	ssyncset.done $0x0  }
0x61: {  	[sflag:s10] =	ssyncadd.s32 $0xFFFFFFF0  }
0x62: {  	_ =	sfence.sel $0x180000  }
0x63: {  	[bflag:$0x0] =	sbarrier.arrive $0xFFFF  }
0x64: {  	p0 =	sne.s32 s0, $0x0;
	_ =	strace $0x90000047  }
0x65: {  	s0 =	sadd.s32 @!p0 $0x100000, s1;
	[bflag:$0x2] =	sbarrier.arrive $0xFFFF  }
0x66: {  	[sflag:s0] =	ssyncadd.tile.s32 @!p0 $0x1;
	_ =	shalt  }
.Lfunc_end2:
_tile_overlayer_lowered:
.L_overlay_start_2:
0x67: {  	(tag) =	ssettag $0x2  }
0x68: {  	s0 =	rddreg [dreg:$0x0];
	s2 =	stileid.u32  }
0x69: {  	s1 =	rddreg [dreg:$0x1];
	p0 =	sne.s32 s2, $0x0  }
0x6a: {  	s3 =	rddreg [dreg:$0x2];
	[bflag:$0x3] =	sbarrier.arrive $0xFFFF;
	s2 =	simm.s32 @!p0 $0x1C01  }
0x6b: {  	[timem:s3], [sflag:s2] =	dma.local @!p0 [hbm:s0], s1  }
0x6c: {  	s0 =	simm.s32 @!p0 $0x1  }
0x6d: {  	_ =	swait.ge @!p0 [sflag:s0], s1  }
0x6e: {  	s1 =	ssub.s32 @!p0 $0x0, s1;
	[sflag:s0] =	ssyncset.done @!p0 $0x0  }
0x6f: {  	[sflag:s0] =	ssyncadd.s32 @!p0 s1  }
0x70: {  	[bflag:$0x3] =	sbarrier.arrive $0xFFFF  }
0x71: {  	_ =	shalt  }

</sc_bundles>
